<compile_context>
chip_gen: v7x
topology: tpu7x:2x2x1
jax: 0.10.2.dev20260603
libtpu: 0.0.44.dev20260713+nightly
codegen_flags: <defaults>
</compile_context>

<pallas_src>
import functools

import jax
import jax.numpy as jnp
from jax import lax
from jax.experimental import pallas as pl
from jax.experimental.pallas import tpu as pltpu
from jax.experimental.pallas import tpu_sc as plsc

_NUM_SAMPLED = 1024
_NUM_CLASSES = 100000
_EMBED_DIM = 64
_BATCH = 4096

_NUM_CORES = 2
_NUM_SUBCORES = 16
_NW = _NUM_CORES * _NUM_SUBCORES
_LBL_PER_W = _BATCH // _NW
_SMP_PER_W = _NUM_SAMPLED // _NW

_TCOLS = 12800
_THALF = _TCOLS // 2
_TGRID = -(-_NUM_CLASSES // _TCOLS)
_PAD_DIM = 2 * _EMBED_DIM
_PACKED_ROWS = _TGRID * _THALF

_TB = 1024


def _logq(idsf):
    p = (jnp.log(idsf + 2.0) - jnp.log(idsf + 1.0)) / jnp.log(
        float(_NUM_CLASSES) + 1.0
    )
    return jnp.log(-jnp.expm1(_NUM_SAMPLED * jnp.log1p(-p)))


def _sampled_candidates():
    skey = jax.random.key(42)
    u = jax.random.uniform(skey, (_NUM_SAMPLED,), dtype=jnp.float32)
    sampled = jnp.clip(
        (jnp.exp(u * jnp.log(float(_NUM_CLASSES) + 1.0)) - 1.0).astype(jnp.int32),
        0,
        _NUM_CLASSES - 1,
    )
    return sampled, _logq(sampled.astype(jnp.float32))


def _expm1_tc(y):
    u = jnp.exp(y)
    num = u - 1.0
    den = jnp.where(num == 0.0, 1.0, jnp.log(u))
    return jnp.where(num == 0.0, y, num * y / den)


def _logq_tc(idsf):
    p = (jnp.log(idsf + 2.0) - jnp.log(idsf + 1.0)) / jnp.log(
        float(_NUM_CLASSES) + 1.0
    )
    return jnp.log(-_expm1_tc(_NUM_SAMPLED * jnp.log1p(-p)))


def _transpose_body(embt_ref, out_ref):
    t = embt_ref[...].T
    out_ref[:, : _EMBED_DIM] = t[:_THALF]
    out_ref[:, _EMBED_DIM :] = t[_THALF:]


def _view_row(i):
    j = i // _TCOLS
    r = i % _TCOLS
    return (j * _THALF + r % _THALF) * 2 + r // _THALF


def _linearize_table(embt):
    out2 = pl.pallas_call(
        _transpose_body,
        grid=(_TGRID,),
        in_specs=[pl.BlockSpec((_EMBED_DIM, _TCOLS), lambda j: (0, j))],
        out_specs=pl.BlockSpec((_THALF, _PAD_DIM), lambda j: (j, 0)),
        out_shape=jax.ShapeDtypeStruct((_PACKED_ROWS, _PAD_DIM), jnp.float32),
    )(embt)
    return out2.reshape(2 * _PACKED_ROWS, _EMBED_DIM)


def _sc_gather_body(
    table_hbm, lbl_hbm, smp_hbm, tw_hbm, sw_hbm, lidx_v, sidx_v, lrows_v, srows_v, sem
):
    wid = lax.axis_index("s") * _NUM_CORES + lax.axis_index("c")
    lbase = wid * _LBL_PER_W
    sbase = wid * _SMP_PER_W
    pltpu.sync_copy(lbl_hbm.at[pl.ds(lbase, _LBL_PER_W)], lidx_v)
    pltpu.sync_copy(smp_hbm.at[pl.ds(sbase, _SMP_PER_W)], sidx_v)
    half = _LBL_PER_W // 2
    c0 = pltpu.async_copy(
        table_hbm.at[lidx_v.at[pl.ds(0, half)]], lrows_v.at[pl.ds(0, half)], sem
    )
    c1 = pltpu.async_copy(
        table_hbm.at[lidx_v.at[pl.ds(half, half)]],
        lrows_v.at[pl.ds(half, half)],
        sem,
    )
    c2 = pltpu.async_copy(table_hbm.at[sidx_v], srows_v, sem)
    c0.wait()
    c1.wait()
    c2.wait()
    pltpu.sync_copy(lrows_v, tw_hbm.at[pl.ds(lbase, _LBL_PER_W)])
    pltpu.sync_copy(srows_v, sw_hbm.at[pl.ds(sbase, _SMP_PER_W)])


def _sc_gather(table, labels2, sampled2):
    mesh = plsc.VectorSubcoreMesh(core_axis_name="c", subcore_axis_name="s")
    k = functools.partial(
        pl.kernel,
        out_type=(
            jax.ShapeDtypeStruct((_BATCH, _EMBED_DIM), jnp.float32),
            jax.ShapeDtypeStruct((_NUM_SAMPLED, _EMBED_DIM), jnp.float32),
        ),
        mesh=mesh,
        scratch_types=[
            pltpu.VMEM((_LBL_PER_W,), jnp.int32),
            pltpu.VMEM((_SMP_PER_W,), jnp.int32),
            pltpu.VMEM((_LBL_PER_W, _EMBED_DIM), jnp.float32),
            pltpu.VMEM((_SMP_PER_W, _EMBED_DIM), jnp.float32),
            pltpu.SemaphoreType.DMA,
        ],
        compiler_params=pltpu.CompilerParams(use_tc_tiling_on_sc=False),
    )(_sc_gather_body)
    return k(table, labels2, sampled2)


def _tc_body(xt_ref, tw_ref, lblt_ref, sw_ref, smp_ref, lqs_ref, out_ref):
    x = xt_ref[...].T
    tw = tw_ref[...]
    lbl = lblt_ref[...].T
    sw = sw_ref[...]
    smp = smp_ref[...]
    lqs = lqs_ref[...]

    true_dot = jnp.sum(x * tw, axis=1, keepdims=True)
    tl = true_dot - _logq_tc(lbl.astype(jnp.float32))

    s = lax.dot_general(
        x, sw, (((1,), (1,)), ((), ())), preferred_element_type=jnp.float32
    )
    e = jnp.where(smp == lbl, 0.0, jnp.exp(s - lqs))
    ssum = jnp.sum(e, axis=1, keepdims=True) + jnp.exp(tl)
    out_ref[...] = (jnp.log(ssum) - tl).T


def _tc_loss(inputs_t, true_w, label_idx_t, sampled_w, sampled_row, logq_s_row):
    grid = (_BATCH // _TB,)
    return pl.pallas_call(
        _tc_body,
        grid=grid,
        in_specs=[
            pl.BlockSpec((_EMBED_DIM, _TB), lambda i: (0, i)),
            pl.BlockSpec((_TB, _EMBED_DIM), lambda i: (i, 0)),
            pl.BlockSpec((1, _TB), lambda i: (0, i)),
            pl.BlockSpec((_NUM_SAMPLED, _EMBED_DIM), lambda i: (0, 0)),
            pl.BlockSpec((1, _NUM_SAMPLED), lambda i: (0, 0)),
            pl.BlockSpec((1, _NUM_SAMPLED), lambda i: (0, 0)),
        ],
        out_specs=pl.BlockSpec((1, _TB), lambda i: (0, i)),
        out_shape=jax.ShapeDtypeStruct((1, _BATCH), jnp.float32),
    )(inputs_t, true_w, label_idx_t, sampled_w, sampled_row, logq_s_row)


def kernel(embeddings, inputs, label_idx, zero_bias):
    del zero_bias
    labels = label_idx.reshape(-1).astype(jnp.int32)
    sampled, logq_s = _sampled_candidates()
    table2 = _linearize_table(embeddings.T)
    true_w, sampled_w = _sc_gather(table2, _view_row(labels), _view_row(sampled))
    loss_row = _tc_loss(
        inputs.T,
        true_w,
        label_idx.astype(jnp.int32).T,
        sampled_w,
        sampled.reshape(1, _NUM_SAMPLED),
        logq_s.reshape(1, _NUM_SAMPLED),
    )
    return loss_row.T

# --- scband reference (transcript-rebuilt; emitter-appended) ---
"""Pipeline reference for scband-sampled-softmax-layer-50105088475612 (READ-ONLY COPY).

The authoritative reference and input builder live on the scoring server;
editing this copy changes nothing except your own understanding.
"""

import jax, jax.numpy as jnp
import numpy as np

NUM_SAMPLED = 1024
NUM_CLASSES = 100000
EMBED_DIM = 64
BATCH = 4096


def _log_expected_count(ids):
    # log-uniform (Zipfian) sampler probability, as in tf.random.log_uniform_candidate_sampler
    idsf = ids.astype(jnp.float32)
    p = (jnp.log(idsf + 2.0) - jnp.log(idsf + 1.0)) / jnp.log(float(NUM_CLASSES) + 1.0)
    # expected count over NUM_SAMPLED trials (sampling with replacement semantics):
    # E[count] = -expm1(num_sampled * log1p(-p))
    return jnp.log(-jnp.expm1(NUM_SAMPLED * jnp.log1p(-p)))


def setup_inputs(seed: int = 0) -> dict:
    key = jax.random.key(seed)
    k1, k2, k3 = jax.random.split(key, 3)
    embeddings = jax.random.normal(k1, (NUM_CLASSES, EMBED_DIM), dtype=jnp.float32) * 0.05
    inputs = jax.random.normal(k2, (BATCH, EMBED_DIM), dtype=jnp.float32)
    label_idx = jax.random.randint(k3, (BATCH, 1), 0, NUM_CLASSES, dtype=jnp.int32)
    zero_bias = jnp.zeros((NUM_CLASSES,), dtype=jnp.float32)
    return {"embeddings": embeddings, "inputs": inputs, "label_idx": label_idx, "zero_bias": zero_bias}


def reference(embeddings, inputs, label_idx, zero_bias):
    labels = label_idx.reshape(-1).astype(jnp.int32)
    # draw candidates from the log-uniform distribution (deterministic key, stands in
    # for tf's internal candidate sampler)
    skey = jax.random.key(42)
    u = jax.random.uniform(skey, (NUM_SAMPLED,), dtype=jnp.float32)
    sampled = jnp.clip(
        (jnp.exp(u * jnp.log(float(NUM_CLASSES) + 1.0)) - 1.0).astype(jnp.int32),
        0, NUM_CLASSES - 1)

    # true logits: row-wise dot of inputs with gathered label rows
    true_w = jnp.take(embeddings, labels, axis=0)          # [B, d] gather
    true_b = jnp.take(zero_bias, labels)                    # [B]
    true_logits = jnp.sum(inputs * true_w, axis=1) + true_b - _log_expected_count(labels)

    # sampled logits: dense matmul against gathered sampled rows
    sampled_w = jnp.take(embeddings, sampled, axis=0)       # [S, d] gather
    sampled_b = jnp.take(zero_bias, sampled)                # [S]
    sampled_logits = inputs @ sampled_w.T + sampled_b[None, :] - _log_expected_count(sampled)[None, :]

    # remove accidental hits (default remove_accidental_hits=True in sampled_softmax_loss)
    acc = sampled[None, :] == labels[:, None]
    sampled_logits = jnp.where(acc, sampled_logits - 1e9, sampled_logits)

    logits = jnp.concatenate([true_logits[:, None], sampled_logits], axis=1)  # [B, 1+S]
    # softmax cross-entropy with the true class in column 0
    loss = jax.nn.logsumexp(logits, axis=1) - logits[:, 0]
    return loss[:, None]

if __name__ == "__main__":
    import jax
    _d = setup_inputs()
    print(jax.jit(kernel)(*tuple(_d.values())))

</pallas_src>

<mosaic_0001>
#map = affine_map<(d0, d1) -> (0, 0)>
#map1 = affine_map<(d0, d1) -> (0)>
module attributes {stable_mosaic.version = 14 : i64} {
  func.func @_sc_gather_body(%arg0: i32, %arg1: i32, %arg2: memref<102400x64xf32, #tpu.memory_space<hbm>>, %arg3: memref<4096xi32, #tpu.memory_space<hbm>>, %arg4: memref<1024xi32, #tpu.memory_space<hbm>>, %arg5: memref<4096x64xf32, #tpu.memory_space<hbm>>, %arg6: memref<1024x64xf32, #tpu.memory_space<hbm>>, %arg7: memref<128xi32, #tpu.memory_space<vmem>>, %arg8: memref<32xi32, #tpu.memory_space<vmem>>, %arg9: memref<128x64xf32, #tpu.memory_space<vmem>>, %arg10: memref<32x64xf32, #tpu.memory_space<vmem>>, %arg11: memref<!tpu.dma_semaphore, #tpu.memory_space<semaphore_mem>>) attributes {dimension_semantics = [#tpu.dimension_semantics<core_parallel>, #tpu.dimension_semantics<subcore_parallel>], iteration_bounds = array<i64: 2, 16>, scalar_prefetch = 0 : i64, scratch_operands = 5 : i64, tpu.core_type = #tpu.core_type<sc_vector_subcore>, window_params = [{transform_indices = #map}, {transform_indices = #map1}, {transform_indices = #map1}, {transform_indices = #map}, {transform_indices = #map}]} {
    %mul3A = arith.constant 2 : i32
    %mul3A_0 = arith.muli %arg1, %mul3A : i32
    %add3A = arith.addi %mul3A_0, %arg0 : i32
    %mul3A_1 = arith.constant 128 : i32
    %mul3A_2 = arith.muli %add3A, %mul3A_1 : i32
    %mul3A_3 = arith.constant 32 : i32
    %mul3A_4 = arith.muli %add3A, %mul3A_3 : i32
    "tpu.region"() ({
      %run_scoped3A = tpu.sem_alloc : memref<!tpu.dma_semaphore, #tpu.memory_space<semaphore_mem>>
      %dma_start3A_41 = tpu.memref_slice %arg3[%mul3A_2] : memref<4096xi32, #tpu.memory_space<hbm>> -> memref<128xi32, #tpu.memory_space<hbm>>
      %dma_start3A_42 = tpu.memref_slice %arg3[%mul3A_2] : memref<4096xi32, #tpu.memory_space<hbm>> -> memref<128xi32, #tpu.memory_space<hbm>>
      tpu.enqueue_dma source(%dma_start3A_42 : memref<128xi32, #tpu.memory_space<hbm>>) target(%arg7 : memref<128xi32, #tpu.memory_space<vmem>>) target_semaphore(%run_scoped3A : memref<!tpu.dma_semaphore, #tpu.memory_space<semaphore_mem>>)
      %dma_wait3A_43 = tpu.memref_slice %arg3[%mul3A_2] : memref<4096xi32, #tpu.memory_space<hbm>> -> memref<128xi32, #tpu.memory_space<hbm>>
      %dma_wait3A_44 = tpu.memref_slice %arg3[%mul3A_2] : memref<4096xi32, #tpu.memory_space<hbm>> -> memref<128xi32, #tpu.memory_space<hbm>>
      tpu.wait_dma2 semaphore(%run_scoped3A : memref<!tpu.dma_semaphore, #tpu.memory_space<semaphore_mem>>) src(%dma_wait3A_44 : memref<128xi32, #tpu.memory_space<hbm>>) dst(%arg7 : memref<128xi32, #tpu.memory_space<vmem>>)
      tpu.yield
    }) : () -> ()
    "tpu.region"() ({
      %run_scoped3A = tpu.sem_alloc : memref<!tpu.dma_semaphore, #tpu.memory_space<semaphore_mem>>
      %dma_start3A_41 = tpu.memref_slice %arg4[%mul3A_4] : memref<1024xi32, #tpu.memory_space<hbm>> -> memref<32xi32, #tpu.memory_space<hbm>>
      %dma_start3A_42 = tpu.memref_slice %arg4[%mul3A_4] : memref<1024xi32, #tpu.memory_space<hbm>> -> memref<32xi32, #tpu.memory_space<hbm>>
      tpu.enqueue_dma source(%dma_start3A_42 : memref<32xi32, #tpu.memory_space<hbm>>) target(%arg8 : memref<32xi32, #tpu.memory_space<vmem>>) target_semaphore(%run_scoped3A : memref<!tpu.dma_semaphore, #tpu.memory_space<semaphore_mem>>)
      %dma_wait3A_43 = tpu.memref_slice %arg4[%mul3A_4] : memref<1024xi32, #tpu.memory_space<hbm>> -> memref<32xi32, #tpu.memory_space<hbm>>
      %dma_wait3A_44 = tpu.memref_slice %arg4[%mul3A_4] : memref<1024xi32, #tpu.memory_space<hbm>> -> memref<32xi32, #tpu.memory_space<hbm>>
      tpu.wait_dma2 semaphore(%run_scoped3A : memref<!tpu.dma_semaphore, #tpu.memory_space<semaphore_mem>>) src(%dma_wait3A_44 : memref<32xi32, #tpu.memory_space<hbm>>) dst(%arg8 : memref<32xi32, #tpu.memory_space<vmem>>)
      tpu.yield
    }) : () -> ()
    %dma_start3A = arith.constant 0 : i32
    %dma_start3A_5 = arith.constant 0 : i32
    %dma_start3A_6 = tpu.memref_slice %arg9[%dma_start3A, %dma_start3A_5] : memref<128x64xf32, #tpu.memory_space<vmem>> -> memref<64x64xf32, #tpu.memory_space<vmem>>
    %dma_start3A_7 = arith.constant 0 : i32
    %dma_start3A_8 = tpu.memref_slice %arg7[%dma_start3A_7] : memref<128xi32, #tpu.memory_space<vmem>> -> memref<64xi32, #tpu.memory_space<vmem>>
    %dma_start3A_9 = arith.constant 0 : i32
    %dma_start3A_10 = arith.constant 0 : i32
    %dma_start3A_11 = tpu.memref_slice %arg2[%dma_start3A_9, %dma_start3A_10] : memref<102400x64xf32, #tpu.memory_space<hbm>> -> memref<102400x64xf32, #tpu.memory_space<hbm>>
    tpu.enqueue_indirect_dma source(%dma_start3A_11 : memref<102400x64xf32, #tpu.memory_space<hbm>>) target(%dma_start3A_6 : memref<64x64xf32, #tpu.memory_space<vmem>>) offsets(%dma_start3A_8 : memref<64xi32, #tpu.memory_space<vmem>>) semaphore(%arg11 : memref<!tpu.dma_semaphore, #tpu.memory_space<semaphore_mem>>)
    %dma_start3A_12 = arith.constant 64 : i32
    %dma_start3A_13 = arith.constant 0 : i32
    %dma_start3A_14 = tpu.memref_slice %arg9[%dma_start3A_12, %dma_start3A_13] : memref<128x64xf32, #tpu.memory_space<vmem>> -> memref<64x64xf32, #tpu.memory_space<vmem>>
    %dma_start3A_15 = arith.constant 64 : i32
    %dma_start3A_16 = tpu.memref_slice %arg7[%dma_start3A_15] : memref<128xi32, #tpu.memory_space<vmem>> -> memref<64xi32, #tpu.memory_space<vmem>>
    %dma_start3A_17 = arith.constant 0 : i32
    %dma_start3A_18 = arith.constant 0 : i32
    %dma_start3A_19 = tpu.memref_slice %arg2[%dma_start3A_17, %dma_start3A_18] : memref<102400x64xf32, #tpu.memory_space<hbm>> -> memref<102400x64xf32, #tpu.memory_space<hbm>>
    tpu.enqueue_indirect_dma source(%dma_start3A_19 : memref<102400x64xf32, #tpu.memory_space<hbm>>) target(%dma_start3A_14 : memref<64x64xf32, #tpu.memory_space<vmem>>) offsets(%dma_start3A_16 : memref<64xi32, #tpu.memory_space<vmem>>) semaphore(%arg11 : memref<!tpu.dma_semaphore, #tpu.memory_space<semaphore_mem>>)
    %dma_start3A_20 = arith.constant 0 : i32
    %dma_start3A_21 = arith.constant 0 : i32
    %dma_start3A_22 = tpu.memref_slice %arg2[%dma_start3A_20, %dma_start3A_21] : memref<102400x64xf32, #tpu.memory_space<hbm>> -> memref<102400x64xf32, #tpu.memory_space<hbm>>
    tpu.enqueue_indirect_dma source(%dma_start3A_22 : memref<102400x64xf32, #tpu.memory_space<hbm>>) target(%arg10 : memref<32x64xf32, #tpu.memory_space<vmem>>) offsets(%arg8 : memref<32xi32, #tpu.memory_space<vmem>>) semaphore(%arg11 : memref<!tpu.dma_semaphore, #tpu.memory_space<semaphore_mem>>)
    %dma_wait3A = arith.constant 0 : i32
    %dma_wait3A_23 = arith.constant 0 : i32
    %dma_wait3A_24 = tpu.memref_slice %arg9[%dma_wait3A, %dma_wait3A_23] : memref<128x64xf32, #tpu.memory_space<vmem>> -> memref<64x64xf32, #tpu.memory_space<vmem>>
    %dma_wait3A_25 = arith.constant 0 : i32
    %dma_wait3A_26 = tpu.memref_slice %arg7[%dma_wait3A_25] : memref<128xi32, #tpu.memory_space<vmem>> -> memref<64xi32, #tpu.memory_space<vmem>>
    %dma_wait3A_27 = arith.constant 0 : i32
    %dma_wait3A_28 = arith.constant 0 : i32
    %dma_wait3A_29 = tpu.memref_slice %arg2[%dma_wait3A_27, %dma_wait3A_28] : memref<102400x64xf32, #tpu.memory_space<hbm>> -> memref<102400x64xf32, #tpu.memory_space<hbm>>
    tpu.wait_indirect_dma semaphore(%arg11 : memref<!tpu.dma_semaphore, #tpu.memory_space<semaphore_mem>>) src(%dma_wait3A_29 : memref<102400x64xf32, #tpu.memory_space<hbm>>) dst(%dma_wait3A_24 : memref<64x64xf32, #tpu.memory_space<vmem>>)
    %dma_wait3A_30 = arith.constant 64 : i32
    %dma_wait3A_31 = arith.constant 0 : i32
    %dma_wait3A_32 = tpu.memref_slice %arg9[%dma_wait3A_30, %dma_wait3A_31] : memref<128x64xf32, #tpu.memory_space<vmem>> -> memref<64x64xf32, #tpu.memory_space<vmem>>
    %dma_wait3A_33 = arith.constant 64 : i32
    %dma_wait3A_34 = tpu.memref_slice %arg7[%dma_wait3A_33] : memref<128xi32, #tpu.memory_space<vmem>> -> memref<64xi32, #tpu.memory_space<vmem>>
    %dma_wait3A_35 = arith.constant 0 : i32
    %dma_wait3A_36 = arith.constant 0 : i32
    %dma_wait3A_37 = tpu.memref_slice %arg2[%dma_wait3A_35, %dma_wait3A_36] : memref<102400x64xf32, #tpu.memory_space<hbm>> -> memref<102400x64xf32, #tpu.memory_space<hbm>>
    tpu.wait_indirect_dma semaphore(%arg11 : memref<!tpu.dma_semaphore, #tpu.memory_space<semaphore_mem>>) src(%dma_wait3A_37 : memref<102400x64xf32, #tpu.memory_space<hbm>>) dst(%dma_wait3A_32 : memref<64x64xf32, #tpu.memory_space<vmem>>)
    %dma_wait3A_38 = arith.constant 0 : i32
    %dma_wait3A_39 = arith.constant 0 : i32
    %dma_wait3A_40 = tpu.memref_slice %arg2[%dma_wait3A_38, %dma_wait3A_39] : memref<102400x64xf32, #tpu.memory_space<hbm>> -> memref<102400x64xf32, #tpu.memory_space<hbm>>
    tpu.wait_indirect_dma semaphore(%arg11 : memref<!tpu.dma_semaphore, #tpu.memory_space<semaphore_mem>>) src(%dma_wait3A_40 : memref<102400x64xf32, #tpu.memory_space<hbm>>) dst(%arg10 : memref<32x64xf32, #tpu.memory_space<vmem>>)
    "tpu.region"() ({
      %run_scoped3A = tpu.sem_alloc : memref<!tpu.dma_semaphore, #tpu.memory_space<semaphore_mem>>
      %dma_start3A_41 = arith.constant 0 : i32
      %dma_start3A_42 = tpu.memref_slice %arg5[%mul3A_2, %dma_start3A_41] : memref<4096x64xf32, #tpu.memory_space<hbm>> -> memref<128x64xf32, #tpu.memory_space<hbm>>
      %dma_start3A_43 = arith.constant 0 : i32
      %dma_start3A_44 = tpu.memref_slice %arg5[%mul3A_2, %dma_start3A_43] : memref<4096x64xf32, #tpu.memory_space<hbm>> -> memref<128x64xf32, #tpu.memory_space<hbm>>
      tpu.enqueue_dma source(%arg9 : memref<128x64xf32, #tpu.memory_space<vmem>>) target(%dma_start3A_44 : memref<128x64xf32, #tpu.memory_space<hbm>>) target_semaphore(%run_scoped3A : memref<!tpu.dma_semaphore, #tpu.memory_space<semaphore_mem>>)
      %dma_wait3A_45 = arith.constant 0 : i32
      %dma_wait3A_46 = tpu.memref_slice %arg5[%mul3A_2, %dma_wait3A_45] : memref<4096x64xf32, #tpu.memory_space<hbm>> -> memref<128x64xf32, #tpu.memory_space<hbm>>
      %dma_wait3A_47 = arith.constant 0 : i32
      %dma_wait3A_48 = tpu.memref_slice %arg5[%mul3A_2, %dma_wait3A_47] : memref<4096x64xf32, #tpu.memory_space<hbm>> -> memref<128x64xf32, #tpu.memory_space<hbm>>
      tpu.wait_dma2 semaphore(%run_scoped3A : memref<!tpu.dma_semaphore, #tpu.memory_space<semaphore_mem>>) src(%arg9 : memref<128x64xf32, #tpu.memory_space<vmem>>) dst(%dma_wait3A_48 : memref<128x64xf32, #tpu.memory_space<hbm>>)
      tpu.yield
    }) : () -> ()
    "tpu.region"() ({
      %run_scoped3A = tpu.sem_alloc : memref<!tpu.dma_semaphore, #tpu.memory_space<semaphore_mem>>
      %dma_start3A_41 = arith.constant 0 : i32
      %dma_start3A_42 = tpu.memref_slice %arg6[%mul3A_4, %dma_start3A_41] : memref<1024x64xf32, #tpu.memory_space<hbm>> -> memref<32x64xf32, #tpu.memory_space<hbm>>
      %dma_start3A_43 = arith.constant 0 : i32
      %dma_start3A_44 = tpu.memref_slice %arg6[%mul3A_4, %dma_start3A_43] : memref<1024x64xf32, #tpu.memory_space<hbm>> -> memref<32x64xf32, #tpu.memory_space<hbm>>
      tpu.enqueue_dma source(%arg10 : memref<32x64xf32, #tpu.memory_space<vmem>>) target(%dma_start3A_44 : memref<32x64xf32, #tpu.memory_space<hbm>>) target_semaphore(%run_scoped3A : memref<!tpu.dma_semaphore, #tpu.memory_space<semaphore_mem>>)
      %dma_wait3A_45 = arith.constant 0 : i32
      %dma_wait3A_46 = tpu.memref_slice %arg6[%mul3A_4, %dma_wait3A_45] : memref<1024x64xf32, #tpu.memory_space<hbm>> -> memref<32x64xf32, #tpu.memory_space<hbm>>
      %dma_wait3A_47 = arith.constant 0 : i32
      %dma_wait3A_48 = tpu.memref_slice %arg6[%mul3A_4, %dma_wait3A_47] : memref<1024x64xf32, #tpu.memory_space<hbm>> -> memref<32x64xf32, #tpu.memory_space<hbm>>
      tpu.wait_dma2 semaphore(%run_scoped3A : memref<!tpu.dma_semaphore, #tpu.memory_space<semaphore_mem>>) src(%arg10 : memref<32x64xf32, #tpu.memory_space<vmem>>) dst(%dma_wait3A_48 : memref<32x64xf32, #tpu.memory_space<hbm>>)
      tpu.yield
    }) : () -> ()
    return
  }
}

module attributes {stable_mosaic.version = 14 : i64} {
  func.func @_transpose_body(%arg0: i32, %arg1: memref<64x12800xf32, #tpu.memory_space<vmem>>, %arg2: memref<6400x128xf32, #tpu.memory_space<vmem>>) attributes {dimension_semantics = [#tpu.dimension_semantics<arbitrary>], iteration_bounds = array<i64: 8>, scalar_prefetch = 0 : i64, scratch_operands = 0 : i64, tpu.core_type = #tpu.core_type<tc>, window_params = [{transform_indices = @transform_0, window_bounds = array<i64: 64, 12800>}, {transform_indices = @transform_1, window_bounds = array<i64: 6400, 128>}]} {
    %get3A = arith.constant 0 : index
    %get3A_0 = arith.constant 0 : index
    %get3A_1 = vector.load %arg1[%get3A, %get3A_0] : memref<64x12800xf32, #tpu.memory_space<vmem>>, vector<64x12800xf32>
    %transpose3A = tpu.transpose %get3A_1, [1, 0] : vector<64x12800xf32> -> vector<12800x64xf32>
    %slice3A = vector.extract_strided_slice %transpose3A {offsets = [0, 0], sizes = [6400, 64], strides = [1, 1]} : vector<12800x64xf32> to vector<6400x64xf32>
    %swap3A = arith.constant 0 : index
    %swap3A_2 = arith.constant 0 : index
    %swap3A_3 = vector.load %arg2[%swap3A, %swap3A_2] : memref<6400x128xf32, #tpu.memory_space<vmem>>, vector<6400x64xf32>
    tpu.vector_store %arg2[%swap3A, %swap3A_2], %slice3A {strides = array<i32>} : memref<6400x128xf32, #tpu.memory_space<vmem>>, vector<6400x64xf32>,
    %slice3A_4 = vector.extract_strided_slice %transpose3A {offsets = [6400, 0], sizes = [6400, 64], strides = [1, 1]} : vector<12800x64xf32> to vector<6400x64xf32>
    %swap3A_5 = arith.constant 0 : index
    %swap3A_6 = arith.constant 64 : index
    %swap3A_7 = vector.load %arg2[%swap3A_5, %swap3A_6] : memref<6400x128xf32, #tpu.memory_space<vmem>>, vector<6400x64xf32>
    tpu.vector_store %arg2[%swap3A_5, %swap3A_6], %slice3A_4 {strides = array<i32>} : memref<6400x128xf32, #tpu.memory_space<vmem>>, vector<6400x64xf32>,
    return
  }
  func.func @transform_0(%arg0: i32) -> (i32, i32) {
    %c0_i32 = arith.constant 0 : i32
    %c0_i32_0 = arith.constant 0 : i32
    return %c0_i32, %arg0 : i32, i32
  }
  func.func @transform_1(%arg0: i32) -> (i32, i32) {
    %c0_i32 = arith.constant 0 : i32
    %c0_i32_0 = arith.constant 0 : i32
    return %arg0, %c0_i32 : i32, i32
  }
}

module attributes {stable_mosaic.version = 14 : i64} {
  func.func @_tc_body(%arg0: i32, %arg1: memref<64x1024xf32, #tpu.memory_space<vmem>>, %arg2: memref<1024x64xf32, #tpu.memory_space<vmem>>, %arg3: memref<1x1024xi32, #tpu.memory_space<vmem>>, %arg4: memref<1024x64xf32, #tpu.memory_space<vmem>>, %arg5: memref<1x1024xi32, #tpu.memory_space<vmem>>, %arg6: memref<1x1024xf32, #tpu.memory_space<vmem>>, %arg7: memref<1x1024xf32, #tpu.memory_space<vmem>>) attributes {dimension_semantics = [#tpu.dimension_semantics<arbitrary>], iteration_bounds = array<i64: 4>, scalar_prefetch = 0 : i64, scratch_operands = 0 : i64, tpu.core_type = #tpu.core_type<tc>, window_params = [{transform_indices = @transform_0, window_bounds = array<i64: 64, 1024>}, {transform_indices = @transform_1, window_bounds = array<i64: 1024, 64>}, {transform_indices = @transform_2, window_bounds = array<i64: 1, 1024>}, {pipeline_mode = #tpu.pipeline_mode<synchronous>, transform_indices = @transform_3, window_bounds = array<i64: 1024, 64>}, {pipeline_mode = #tpu.pipeline_mode<synchronous>, transform_indices = @transform_4, window_bounds = array<i64: 1, 1024>}, {pipeline_mode = #tpu.pipeline_mode<synchronous>, transform_indices = @transform_5, window_bounds = array<i64: 1, 1024>}, {transform_indices = @transform_6, window_bounds = array<i64: 1, 1024>}]} {
    %get3A = arith.constant 0 : index
    %get3A_0 = arith.constant 0 : index
    %get3A_1 = vector.load %arg1[%get3A, %get3A_0] : memref<64x1024xf32, #tpu.memory_space<vmem>>, vector<64x1024xf32>
    %transpose3A = tpu.transpose %get3A_1, [1, 0] : vector<64x1024xf32> -> vector<1024x64xf32>
    %get3A_2 = arith.constant 0 : index
    %get3A_3 = arith.constant 0 : index
    %get3A_4 = vector.load %arg2[%get3A_2, %get3A_3] : memref<1024x64xf32, #tpu.memory_space<vmem>>, vector<1024x64xf32>
    %get3A_5 = arith.constant 0 : index
    %get3A_6 = arith.constant 0 : index
    %get3A_7 = vector.load %arg3[%get3A_5, %get3A_6] : memref<1x1024xi32, #tpu.memory_space<vmem>>, vector<1x1024xi32>
    %transpose3A_8 = tpu.transpose %get3A_7, [1, 0] : vector<1x1024xi32> -> vector<1024x1xi32>
    %get3A_9 = arith.constant 0 : index
    %get3A_10 = arith.constant 0 : index
    %get3A_11 = vector.load %arg4[%get3A_9, %get3A_10] : memref<1024x64xf32, #tpu.memory_space<vmem>>, vector<1024x64xf32>
    %get3A_12 = arith.constant 0 : index
    %get3A_13 = arith.constant 0 : index
    %get3A_14 = vector.load %arg5[%get3A_12, %get3A_13] : memref<1x1024xi32, #tpu.memory_space<vmem>>, vector<1x1024xi32>
    %get3A_15 = arith.constant 0 : index
    %get3A_16 = arith.constant 0 : index
    %get3A_17 = vector.load %arg6[%get3A_15, %get3A_16] : memref<1x1024xf32, #tpu.memory_space<vmem>>, vector<1x1024xf32>
    %mul3A = arith.mulf %transpose3A, %get3A_4 : vector<1024x64xf32>
    %reduce_sum3A = arith.constant dense<0.000000e+00> : vector<1024xf32>
    %reduce_sum3A_18 = vector.multi_reduction <add>, %mul3A, %reduce_sum3A [1] : vector<1024x64xf32> to vector<1024xf32>
    %broadcast_in_dim3A = vector.shape_cast %reduce_sum3A_18 : vector<1024xf32> to vector<1024x1xf32>
    %convert_element_type3A = arith.sitofp %transpose3A_8 : vector<1024x1xi32> to vector<1024x1xf32>
    %add3A = arith.constant 2.000000e+00 : f32
    %add3A_19 = vector.broadcast %add3A : f32 to vector<1024x1xf32>
    %add3A_20 = arith.addf %convert_element_type3A, %add3A_19 : vector<1024x1xf32>
    %log3A = math.log %add3A_20 : vector<1024x1xf32>
    %add3A_21 = arith.constant 1.000000e+00 : f32
    %add3A_22 = vector.broadcast %add3A_21 : f32 to vector<1024x1xf32>
    %add3A_23 = arith.addf %convert_element_type3A, %add3A_22 : vector<1024x1xf32>
    %log3A_24 = math.log %add3A_23 : vector<1024x1xf32>
    %sub3A = arith.subf %log3A, %log3A_24 : vector<1024x1xf32>
    %log3A_25 = arith.constant 1.000010e+05 : f32
    %log3A_26 = math.log %log3A_25 : f32
    %div3A = vector.broadcast %log3A_26 : f32 to vector<1024x1xf32>
    %div3A_27 = arith.divf %sub3A, %div3A : vector<1024x1xf32>
    %neg3A = arith.constant 0.000000e+00 : f32
    %neg3A_28 = vector.broadcast %neg3A : f32 to vector<1024x1xf32>
    %neg3A_29 = arith.subf %neg3A_28, %div3A_27 : vector<1024x1xf32>
    %log1p3A = math.log1p %neg3A_29 : vector<1024x1xf32>
    %mul3A_30 = arith.constant 1.024000e+03 : f32
    %mul3A_31 = vector.broadcast %mul3A_30 : f32 to vector<1024x1xf32>
    %mul3A_32 = arith.mulf %mul3A_31, %log1p3A : vector<1024x1xf32>
    %exp3A = math.exp %mul3A_32 : vector<1024x1xf32>
    %sub3A_33 = arith.constant 1.000000e+00 : f32
    %sub3A_34 = vector.broadcast %sub3A_33 : f32 to vector<1024x1xf32>
    %sub3A_35 = arith.subf %exp3A, %sub3A_34 : vector<1024x1xf32>
    %eq3A = arith.constant 0.000000e+00 : f32
    %eq3A_36 = vector.broadcast %eq3A : f32 to vector<1024x1xf32>
    %eq3A_37 = arith.cmpf oeq, %sub3A_35, %eq3A_36 : vector<1024x1xf32>
    %log3A_38 = math.log %exp3A : vector<1024x1xf32>
    %jit3A = arith.constant 1.000000e+00 : f32
    %broadcast_in_dim3A_39 = vector.broadcast %jit3A : f32 to vector<1024x1xf32>
    %select_n3A = arith.select %eq3A_37, %broadcast_in_dim3A_39, %log3A_38 : vector<1024x1xi1>, vector<1024x1xf32>
    %eq3A_40 = arith.constant 0.000000e+00 : f32
    %eq3A_41 = vector.broadcast %eq3A_40 : f32 to vector<1024x1xf32>
    %eq3A_42 = arith.cmpf oeq, %sub3A_35, %eq3A_41 : vector<1024x1xf32>
    %mul3A_43 = arith.mulf %sub3A_35, %mul3A_32 : vector<1024x1xf32>
    %div3A_44 = arith.divf %mul3A_43, %select_n3A : vector<1024x1xf32>
    %select_n3A_45 = arith.select %eq3A_42, %mul3A_32, %div3A_44 : vector<1024x1xi1>, vector<1024x1xf32>
    %neg3A_46 = arith.constant 0.000000e+00 : f32
    %neg3A_47 = vector.broadcast %neg3A_46 : f32 to vector<1024x1xf32>
    %neg3A_48 = arith.subf %neg3A_47, %select_n3A_45 : vector<1024x1xf32>
    %log3A_49 = math.log %neg3A_48 : vector<1024x1xf32>
    %sub3A_50 = arith.subf %broadcast_in_dim3A, %log3A_49 : vector<1024x1xf32>
    %dot_general3A = arith.constant dense<0.000000e+00> : vector<1024x1024xf32>
    %dot_general3A_51 = tpu.matmul %transpose3A, %get3A_11, %dot_general3A {dimension_numbers = #tpu.dot_dimension_numbers<[1], [1], [0], [0], [0, 0, 1, 0], [], []>, transpose_lhs_hint = false} : vector<1024x64xf32>, vector<1024x64xf32>, vector<1024x1024xf32> -> vector<1024x1024xf32>
    %eq3A_52 = vector.broadcast %get3A_14 : vector<1x1024xi32> to vector<1024x1024xi32>
    %eq3A_53 = vector.broadcast %transpose3A_8 : vector<1024x1xi32> to vector<1024x1024xi32>
    %eq3A_54 = arith.cmpi eq, %eq3A_52, %eq3A_53 : vector<1024x1024xi32>
    %sub3A_55 = vector.broadcast %get3A_17 : vector<1x1024xf32> to vector<1024x1024xf32>
    %sub3A_56 = arith.subf %dot_general3A_51, %sub3A_55 : vector<1024x1024xf32>
    %exp3A_57 = math.exp %sub3A_56 : vector<1024x1024xf32>
    %jit3A_58 = arith.constant 0.000000e+00 : f32
    %broadcast_in_dim3A_59 = vector.broadcast %jit3A_58 : f32 to vector<1024x1024xf32>
    %select_n3A_60 = arith.select %eq3A_54, %broadcast_in_dim3A_59, %exp3A_57 : vector<1024x1024xi1>, vector<1024x1024xf32>
    %reduce_sum3A_61 = arith.constant dense<0.000000e+00> : vector<1024xf32>
    %reduce_sum3A_62 = vector.multi_reduction <add>, %select_n3A_60, %reduce_sum3A_61 [1] : vector<1024x1024xf32> to vector<1024xf32>
    %broadcast_in_dim3A_63 = vector.shape_cast %reduce_sum3A_62 : vector<1024xf32> to vector<1024x1xf32>
    %exp3A_64 = math.exp %sub3A_50 : vector<1024x1xf32>
    %add3A_65 = arith.addf %broadcast_in_dim3A_63, %exp3A_64 : vector<1024x1xf32>
    %log3A_66 = math.log %add3A_65 : vector<1024x1xf32>
    %sub3A_67 = arith.subf %log3A_66, %sub3A_50 : vector<1024x1xf32>
    %transpose3A_68 = tpu.transpose %sub3A_67, [1, 0] : vector<1024x1xf32> -> vector<1x1024xf32>
    %swap3A = arith.constant 0 : index
    %swap3A_69 = arith.constant 0 : index
    %swap3A_70 = vector.load %arg7[%swap3A, %swap3A_69] : memref<1x1024xf32, #tpu.memory_space<vmem>>, vector<1x1024xf32>
    tpu.vector_store %arg7[%swap3A, %swap3A_69], %transpose3A_68 {strides = array<i32>} : memref<1x1024xf32, #tpu.memory_space<vmem>>, vector<1x1024xf32>,
    return
  }
  func.func @transform_0(%arg0: i32) -> (i32, i32) {
    %c0_i32 = arith.constant 0 : i32
    %c0_i32_0 = arith.constant 0 : i32
    return %c0_i32, %arg0 : i32, i32
  }
  func.func @transform_1(%arg0: i32) -> (i32, i32) {
    %c0_i32 = arith.constant 0 : i32
    %c0_i32_0 = arith.constant 0 : i32
    return %arg0, %c0_i32 : i32, i32
  }
  func.func @transform_2(%arg0: i32) -> (i32, i32) {
    %c0_i32 = arith.constant 0 : i32
    %c0_i32_0 = arith.constant 0 : i32
    return %c0_i32, %arg0 : i32, i32
  }
  func.func @transform_3(%arg0: i32) -> (i32, i32) {
    %c0_i32 = arith.constant 0 : i32
    %c0_i32_0 = arith.constant 0 : i32
    %c0_i32_1 = arith.constant 0 : i32
    return %c0_i32, %c0_i32_0 : i32, i32
  }
  func.func @transform_4(%arg0: i32) -> (i32, i32) {
    %c0_i32 = arith.constant 0 : i32
    %c0_i32_0 = arith.constant 0 : i32
    %c0_i32_1 = arith.constant 0 : i32
    return %c0_i32, %c0_i32_0 : i32, i32
  }
  func.func @transform_5(%arg0: i32) -> (i32, i32) {
    %c0_i32 = arith.constant 0 : i32
    %c0_i32_0 = arith.constant 0 : i32
    %c0_i32_1 = arith.constant 0 : i32
    return %c0_i32, %c0_i32_0 : i32, i32
  }
  func.func @transform_6(%arg0: i32) -> (i32, i32) {
    %c0_i32 = arith.constant 0 : i32
    %c0_i32_0 = arith.constant 0 : i32
    return %c0_i32, %arg0 : i32, i32
  }
}

</mosaic_0001>

<sc_bundles>
// kernel: kernel.5.cloned.1.call-start
scs
__scs_entry_jumppad:
0x0: {  	(pc) =	sbr.rel $0x88, $3  }
0x1: {  	(tag) =	ssettag $0x0;
	lr =	simm.s32 $0x1  }
0x2: {  	[smem:$0x3F9E] =	sst lr;
	_ =	strace $0xD0000000  }
0x3: {  	_ = 	snop  }
0x4: {  	_ = 	snop  }
0x5: {  	_ = 	snop  }
0x6: {  	_ = 	snop  }
0x7: {  	_ = 	snop  }
__scs_overlays_trampoline_lowered:
0x8: {  	[smem:$0x3FAD] =	sst s0  }
0x9: {  	[smem:$0x3FAE] =	sst s1  }
0xa: {  	[smem:$0x3FAF] =	sst s2  }
0xb: {  	[smem:$0x3FB0] =	sst s3  }
0xc: {  	[smem:$0x3FB1] =	sst s4  }
0xd: {  	[smem:$0x3FB2] =	sst s5  }
0xe: {  	[smem:$0x3FB3] =	sst s6  }
0xf: {  	[smem:$0x3FB4] =	sst s7  }
0x10: {  	[smem:$0x3FB5] =	sst s8  }
0x11: {  	[smem:$0x3FB6] =	sst s9;
	s0 =	simm.s32 @!p0 $0x0  }
0x12: {  	s1 =	sld [smem:$0x3F9C];
	s0 =	simm.s32 @p0 $0x1  }
0x13: {  	[smem:$0x3FB7] =	sst s0;
	s0 =	simm.s32 @!p1 $0x0  }
0x14: {  	s2 =	sld [smem:$0x3F9B];
	s0 =	simm.s32 @p1 $0x1  }
0x15: {  	[smem:$0x3FB8] =	sst s0;
	s0 =	simm.s32 @!p2 $0x0  }
0x16: {  	s3 =	sld [smem:$0x3FDB];
	s0 =	simm.s32 @p2 $0x1  }
0x17: {  	s4 =	simm.s32 $0x1BF5;
	[smem:$0x3FBA] =	sst s0  }
0x18: {  	s0 =	sld [smem:$0x3F9D];
	_ =	swait.ge [sflag:s4], $0x0  }
0x19: {  	s7 =	sld [smem:$0x3F9E]  }
0x1a: {  	s8 =	sadd.s32 $0xFFFFE003, lr  }
0x1b: {  	s9 =	sadd.s32 $0xFFFFFEF7, lr;
	s5 =	simm.s32 $0xFFFFFFFF;
	p2 =	slt.u32 s8, $0xFFFFF086  }
0x1c: {  	p1 =	slt.u32 s9, $0xF7A;
	s5 =	simm.s32 @!p2 $0x0  }
0x1d: {  	s5 =	simm.s32 @p1 $0x1;
	p0 =	seq.s32 s7, s2  }
0x1e: {  	s7 =	smul.u32 @!p0 $0xF7A, s2;
	p2 =	seq.s32 @!p0 s5, $0x0  }
0x1f: {  	s9 =	smul.u32 $0xF7A, s1;
	s8 =	simm.s32 @!p0 $0x1BF5;
	p2 =	por !p2, p0  }
0x20: {  	[sflag:s8] =	ssyncset.s32 @!p0 $0xFFFFF086;
	s6 =	sadd.s32 @!p0 s3, s7;
	s7 =	simm.s32 @!p0 $0x108  }
0x21: {  	s3 =	sadd.s32 s3, s9;
	s6 =	sadd.s32 @!p0 $0x88, s6;
	s7 =	simm.s32 @p2 $0x1082  }
0x22: {  	[simem:s7], [sflag:s8] =	dma.local @!p0 [hbm:s6], $0xF7A  }
0x23: {  	s9 =	sor.u32 $0xD0000000, s2;
	s6 =	simm.s32 $0x108;
	_ =	swait.ge @!p0 [sflag:s8], $0x0  }
0x24: {  	s3 =	sadd.s32 $0x88, s3;
	s6 =	simm.s32 @!p1 $0x1082;
	[sflag:s4] =	ssyncset.s32 $0xFFFFF086  }
0x25: {  	[simem:s6], [sflag:s4] =	dma.local [hbm:s3], $0xF7A  }
0x26: {  	[smem:$0x3F9E] =	sst s1;
	(tag) =	ssettag s2;
	_ =	strace s9  }
0x27: {  	s1 =	sld [smem:$0x3FAE]  }
0x28: {  	s2 =	sld [smem:$0x3FAF]  }
0x29: {  	s4 =	sld [smem:$0x3FB1]  }
0x2a: {  	p0 =	seq.s32 s5, $0x0;
	s5 =	sld [smem:$0x3FB2]  }
0x2b: {  	s6 =	sld [smem:$0x3FB3]  }
0x2c: {  	s7 =	sld [smem:$0x3FB4]  }
0x2d: {  	s3 =	simm.s32 $0x108;
	s8 =	sld [smem:$0x3FB5]  }
0x2e: {  	s3 =	simm.s32 @!p0 $0x1082;
	s9 =	sld [smem:$0x3FB6]  }
0x2f: {  	lr =	sadd.s32 s0, s3;
	s0 =	sld [smem:$0x3FAD]  }
0x30: {  	s3 =	sld [smem:$0x3FB0]  }
0x31: {  	[smem:$0x3FB9] =	sst s10  }
0x32: {  	s10 =	sld [smem:$0x3FB7];
	_ =	sdelay $0x3  }
0x33: {  	p0 =	seq.s32 s10, $0x1;
	s10 =	sld [smem:$0x3FB9];
	_ =	sdelay $0x3  }
0x34: {  	[smem:$0x3FB9] =	sst s10  }
0x35: {  	s10 =	sld [smem:$0x3FB8];
	_ =	sdelay $0x3  }
0x36: {  	p1 =	seq.s32 s10, $0x1;
	s10 =	sld [smem:$0x3FB9];
	_ =	sdelay $0x3  }
0x37: {  	[smem:$0x3FB9] =	sst s10  }
0x38: {  	s10 =	sld [smem:$0x3FBA]  }
0x39: {  	_ = 	snop;
	(pc) =	sbr.ind lr, $3  }
0x3a: {  	_ = 	snop  }
0x3b: {  	_ = 	snop  }
0x3c: {  	p2 =	seq.s32 s10, $0x1;
	s10 =	sld [smem:$0x3FB9]  }
0x3d: {  	_ =	shalt  }
0x3e: {  	_ =	shalt  }
0x3f: {  	_ =	shalt  }
0x40: {  	_ =	shalt  }
0x41: {  	_ =	shalt  }
0x42: {  	_ =	shalt  }
0x43: {  	_ =	shalt  }
0x44: {  	_ =	shalt  }
0x45: {  	_ =	shalt  }
0x46: {  	_ =	shalt  }
0x47: {  	_ =	shalt  }
0x48: {  	_ =	shalt  }
0x49: {  	_ =	shalt  }
0x4a: {  	_ =	shalt  }
0x4b: {  	_ =	shalt  }
0x4c: {  	_ =	shalt  }
0x4d: {  	_ =	shalt  }
0x4e: {  	_ =	shalt  }
0x4f: {  	_ =	shalt  }
0x50: {  	_ =	shalt  }
0x51: {  	_ =	shalt  }
0x52: {  	_ =	shalt  }
0x53: {  	_ =	shalt  }
0x54: {  	_ =	shalt  }
0x55: {  	_ =	shalt  }
0x56: {  	_ =	shalt  }
0x57: {  	_ =	shalt  }
0x58: {  	_ =	shalt  }
0x59: {  	_ =	shalt  }
0x5a: {  	_ =	shalt  }
0x5b: {  	_ =	shalt  }
0x5c: {  	_ =	shalt  }
0x5d: {  	_ =	shalt  }
0x5e: {  	_ =	shalt  }
0x5f: {  	_ =	shalt  }
0x60: {  	_ =	shalt  }
0x61: {  	_ =	shalt  }
0x62: {  	_ =	shalt  }
0x63: {  	_ =	shalt  }
0x64: {  	_ =	shalt  }
0x65: {  	_ =	shalt  }
0x66: {  	_ =	shalt  }
0x67: {  	_ =	shalt  }
0x68: {  	_ =	shalt  }
0x69: {  	_ =	shalt  }
0x6a: {  	_ =	shalt  }
0x6b: {  	_ =	shalt  }
0x6c: {  	_ =	shalt  }
0x6d: {  	_ =	shalt  }
0x6e: {  	_ =	shalt  }
0x6f: {  	_ =	shalt  }
0x70: {  	_ =	shalt  }
0x71: {  	_ =	shalt  }
0x72: {  	_ =	shalt  }
0x73: {  	_ =	shalt  }
0x74: {  	_ =	shalt  }
0x75: {  	_ =	shalt  }
0x76: {  	_ =	shalt  }
0x77: {  	_ =	shalt  }
0x78: {  	_ =	shalt  }
0x79: {  	_ =	shalt  }
0x7a: {  	_ =	shalt  }
0x7b: {  	_ =	shalt  }
0x7c: {  	_ =	shalt  }
0x7d: {  	_ =	shalt  }
0x7e: {  	_ =	shalt  }
0x7f: {  	_ =	shalt  }
0x80: {  	_ =	shalt  }
0x81: {  	_ =	shalt  }
0x82: {  	_ =	shalt  }
0x83: {  	_ =	shalt  }
0x84: {  	_ =	shalt  }
0x85: {  	_ =	shalt  }
0x86: {  	_ =	shalt  }
0x87: {  	_ =	shalt  }
.Lfunc_end0:
.L_simem_size_0:
called_computation_lowered:
.L_overlay_start_0:
0x88: {  	s2 =	sld [smem:$0x3FD9]  }
0x89: {  	s3 =	sld [smem:$0x3FFE];
	_ =	sdelay $0x1  }
0x8a: {  	s1 =	srdreg.scid  }
0x8b: {  	s0 =	sand.u32 $0x1, s1  }
0x8c: {  	s17 =	sshll.u32 s0, $0xA;
	s2 =	sadd.s32 s3, s2  }
0x8d: {  	s2 =	sadd.s32 s2, s17  }
0x8e: {  	[smem:$0x3FC5] =	sst s2  }
0x8f: {  	_ = 	snop  }
0x90: {  	s2 =	sld [smem:$0x3FD0];
	(tm) =	ssettm $0x1  }
0x91: {  	s18 =	sld [smem:$0x3FFB];
	_ =	sdelay $0x3  }
0x92: {  	_ =	strace s18  }
0x93: {  	s3 =	sld [smem:$0x3FFC];
	_ =	sdelay $0x3  }
0x94: {  	_ =	strace s3  }
0x95: {  	s3 =	sld [smem:$0x3FFD];
	_ =	sdelay $0x3  }
0x96: {  	_ =	strace s3  }
0x97: {  	_ =	strace $0x8FFFFFFF  }
0x98: {  	s19 =	sld [smem:$0x3FDB];
	_ =	sdelay $0x1  }
0x99: {  	s4 =	simm.s32 $_scs_section_size  }
0x9a: {  	s5 =	simm.s32 $_size__tile_overlayer_lowered;
	s6 =	simm.s32 $_tile_overlayer_lowered  }
0x9b: {  	s22 =	simm.s32 $0x1BFF;
	s21 =	sshll.u32 s6, $0x1;
	s3 =	sadd.s32 s4, s19  }
0x9c: {  	s7 =	simm.s32 $0x0;
	s20 =	sshll.u32 s5, $0x1;
	s5 =	sadd.s32 s21, s3  }
0x9d: {  	[timem:s7], [sflag:s22] =	dma.local [hbm:s5], s20  }
0x9e: {  	_ =	swait.ge [sflag:s22], s20  }
0x9f: {  	s4 =	ssub.s32 $0x0, s20;
	[sflag:s22] =	ssyncset.done $0x0  }
0xa0: {  	[sflag:s22] =	ssyncadd.s32 s4;
	_ =	sdelay $0x1  }
0xa1: {  	s23 =	simm.s32 $0x1B8B  }
0xa2: {  	_ =	swait.ge [sflag:s23], $0x1  }
0xa3: {  	[sflag:s23] =	ssyncset.done $0x0  }
0xa4: {  	s25 =	simm.s32 $0x1B8E;
	s24 =	sld [smem:$0x3FFE];
	[sflag:s23] =	ssyncadd.s32 $0xFFFFFFFF  }
0xa5: {  	s26 =	simm.s32 $execute0_lowered;
	[smem:$0x3FD2] =	sst s25  }
0xa6: {  	s5 =	sshll.u32 s26, $0x1;
	_ =	strace $0x80000046;
	[dreg:$0x1] =	wrdreg $0xFFFFFFFF  }
0xa7: {  	s28 =	simm.s32 $_size_execute0_lowered;
	s3 =	sadd.s32 s3, s5;
	[dreg:$0x0] =	wrdreg $0x0  }
0xa8: {  	s5 =	sshll.u32 s28, $0x1;
	[dreg:$0x2] =	wrdreg s3  }
0xa9: {  	[dreg:$0x3] =	wrdreg s5  }
0xaa: {  	[dreg:$0x4] =	wrdreg $0xC0  }
0xab: {  	_ =	task [dreg:s7], $0x5FFFF  }
0xac: {  	[dreg:$0x1] =	wrdreg $0xFFFFFFFF  }
0xad: {  	[dreg:$0x0] =	wrdreg $0x60  }
0xae: {  	[dreg:$0x2] =	wrdreg s24  }
0xaf: {  	[dreg:$0x3] =	wrdreg s2  }
0xb0: {  	[dreg:$0x4] =	wrdreg $0x9  }
0xb1: {  	_ =	task.clear_ibuf [dreg:s7], $0x5FFFF;
	_ =	strace $0x90000046  }
0xb2: {  	s29 =	simm.s32 $0x9;
	_ =	strace $0x80000048  }
0xb3: {  	_ =	swait.ge [sflag:s29], $0x1  }
0xb4: {  	[sflag:s29] =	ssyncadd.s32 $0xFFFFFFFF  }
0xb5: {  	_ =	strace $0x90000048  }
0xb6: {  	_ =	sfence  }
0xb7: {  	s30 =	sld [smem:$0x0];
	_ =	sdelay $0x2  }
0xb8: {  	s31 =	sshll.u32 s1, $0xD;
	s1 =	sshrl.u32 s1, $0x2  }
0xb9: {  	s3 =	sand.u32 $0x4000, s31;
	s1 =	sadd.s32 s1, s30  }
0xba: {  	s0 =	sor.u32 s3, s0;
	s1 =	sshll.u32 s1, $0x11  }
0xbb: {  	s0 =	sor.u32 s1, s0  }
0xbc: {  	s0 =	sadd.s32 $0x8F2B, s0  }
0xbd: {  	[sflag:s0] =	ssyncadd.remote.s32 $0x1  }
0xbe: {  	_ =	sfence.sel $0xFFFF  }
0xbf: {  	[dreg:$0x0] =	wrdreg $0xFFFFFFFF;
	(pc) =	sbr.abs _section_cstart, $3  }
0xc0: {  	[dreg:$0x1] =	wrdreg $0xFFFFFFFF  }
0xc1: {  	_ =	task.clear_ibuf [dreg:s7], $0x2FFFF;
	_ =	strace $0x9FFFFFFF  }
0xc2: {  	(tm) =	ssettm $0x7FFFFFFF  }
0xc3: {  	_ =	shalt  }
tec
execute0_lowered:
.L_overlay_start_1:
0x0: {  	(tag) =	ssettag $0x1  }
0x1: {  	s15 =	rddreg [dreg:$0x0]  }
0x2: {  	s1 =	srdreg.scid;
	s0 =	stileid.u32  }
0x3: {  	s3 =	rddreg [dreg:$0x1];
	s14 =	sand.u32 $0x1, s1;
	s4 =	sshll.u32 s0, $0x1  }
0x4: {  	s2 =	simm.s32 $0x0;
	s1 =	rddreg [dreg:$0x2];
	s16 =	sor.u32 s14, s4  }
0x5: {  	[smem:$0x7FF] =	sst s2;
	s4 =	sshll.u32 s16, $0x4  }
0x6: {  	_ =	strace $0x80000047;
	s4 =	sadd.s32 s3, s4;
	s3 =	simm.s32 $0x2  }
0x7: {  	[tilespmem:s2], [sflag:$0x2] =	stream.linear.gather [hbm4b:s4+s2], $0x80, $0x38;
	[tilespmem:$0x28A0] =	vst v63  }
0x8: {  	s5 =	sshll.u32 s16, $0x2;
	_ =	swait.ge [sflag:s3], $0x80  }
0x9: {  	s5 =	sadd.s32 s5, s15;
	[sflag:s3] =	ssyncset.done $0x0  }
0xa: {  	s6 =	simm.s32 $0x80;
	s5 =	sadd.s32 $0xA00, s5;
	[sflag:s3] =	ssyncadd.s32 $0xFFFFFF80  }
0xb: {  	[tilespmem:s6], [sflag:$0x2] =	stream.linear.gather [hbm4b:s5+s2], $0x20, $0x38;
	[tilespmem:$0x28A0] =	vst v63  }
0xc: {  	_ =	swait.ge [sflag:s3], $0x20  }
0xd: {  	s8 =	simm.s32 $0x40;
	[sflag:s3] =	ssyncset.done $0x0  }
0xe: {  	s9 =	simm.s32 $0xA0;
	s7 =	sadd.s32 $0xC00, s15;
	[sflag:s3] =	ssyncadd.s32 $0xFFFFFFE0  }
0xf: {  	[tilespmem:s9], [sflag:$0x1] =	stream.indirect.gather [hbm4b:s7+s8], $0x40, s2, s8, $0xb8;
	[tilespmem:$0x28A0] =	vst v63  }
0x10: {  	s10 =	simm.s32 $0x10A0  }
0x11: {  	[tilespmem:s10], [sflag:$0x1] =	stream.indirect.gather [hbm4b:s7+s8], $0x40, s8, s8, $0xb8;
	[tilespmem:$0x28A0] =	vst v63  }
0x12: {  	s11 =	simm.s32 $0x20;
	s12 =	simm.s32 $0x20A0;
	s13 =	simm.s32 $0x1  }
0x13: {  	[tilespmem:s12], [sflag:$0x1] =	stream.indirect.gather [hbm4b:s7+s11], $0x40, s6, s11, $0xb8;
	[tilespmem:$0x28A0] =	vst v63  }
0x14: {  	_ =	swait.ge [sflag:s13], $0x1000  }
0x15: {  	[sflag:s13] =	ssyncset.done $0x0  }
0x16: {  	[sflag:s13] =	ssyncadd.s32 $0xFFFFF000  }
0x17: {  	_ =	swait.ge [sflag:s13], $0x1000  }
0x18: {  	s18 =	ssub.s32 $0x2, s14;
	[sflag:s13] =	ssyncset.done $0x0  }
0x19: {  	s17 =	sshll.u32 s16, $0xA;
	s16 =	sshll.u32 s16, $0x8;
	[sflag:s13] =	ssyncadd.s32 $0xFFFFF000  }
0x1a: {  	s30 =	sshrl.u32 s18, $0x1;
	s17 =	sadd.s32 s17, s15;
	_ =	swait.ge [sflag:s13], $0x800  }
0x1b: {  	s15 =	sadd.s32 s16, s15;
	s31 =	ssub.s32 s18, s30;
	[sflag:s13] =	ssyncset.done $0x0  }
0x1c: {  	s14 =	sadd.s32 $0xC8C00, s17;
	s16 =	smax.u32 s31, $0x1;
	[sflag:s13] =	ssyncadd.s32 $0xFFFFF800  }
0x1d: {  	[hbm4b:s14+s2] =	stream.linear.scatter [tilespmem:s9], [sflag:$0x2], $0x2000, $0x38;
	[tilespmem:$0x28A0] =	vst v63  }
0x1e: {  	p0 =	sne.s32 s16, $0x1;
	_ =	swait.ge [sflag:s3], $0x2000  }
.Ltmp0:
0x1f: {  	[sflag:s3] =	ssyncset.done $0x0;
	(pc) =	sbr.rel @!p0 .LBB2_2-.Ltmp0, $4  }
0x20: {  	s15 =	sadd.s32 $0xD0C00, s15;
	[sflag:s3] =	ssyncadd.s32 $0xFFFFE000  }
0x21: {  	[hbm4b:s15+s2] =	stream.linear.scatter [tilespmem:s12], [sflag:$0x2], $0x800, $0x38;
	[tilespmem:$0x28A0] =	vst v63  }
0x22: {  	_ =	swait.ge [sflag:s3], $0x800  }
0x23: {  	s16 =	sadd.s32 $0xFFFFFFFF, s16;
	[sflag:s3] =	ssyncset.done $0x0  }
.LBB2_1:
0x24: {  	p0 =	sne.s32 s16, $0x1;
	s16 =	sadd.s32 $0xFFFFFFFF, s16;
	[sflag:s3] =	ssyncadd.s32 $0xFFFFF800  }
0x25: {  	[tilespmem:s2], [sflag:$0x2] =	stream.linear.gather [hbm4b:s4+s2], $0x80, $0x38;
	[tilespmem:$0x28A0] =	vst v63  }
0x26: {  	_ =	swait.ge [sflag:s3], $0x80  }
0x27: {  	[sflag:s3] =	ssyncset.done $0x0  }
0x28: {  	[sflag:s3] =	ssyncadd.s32 $0xFFFFFF80  }
0x29: {  	[tilespmem:s6], [sflag:$0x2] =	stream.linear.gather [hbm4b:s5+s2], $0x20, $0x38;
	[tilespmem:$0x28A0] =	vst v63  }
0x2a: {  	_ =	swait.ge [sflag:s3], $0x20  }
0x2b: {  	[sflag:s3] =	ssyncset.done $0x0  }
0x2c: {  	[sflag:s3] =	ssyncadd.s32 $0xFFFFFFE0  }
0x2d: {  	[tilespmem:s9], [sflag:$0x1] =	stream.indirect.gather [hbm4b:s7+s8], $0x40, s2, s8, $0xb8;
	[tilespmem:$0x28A0] =	vst v63  }
0x2e: {  	_ = 	snop  }
0x2f: {  	[tilespmem:s10], [sflag:$0x1] =	stream.indirect.gather [hbm4b:s7+s8], $0x40, s8, s8, $0xb8;
	[tilespmem:$0x28A0] =	vst v63  }
0x30: {  	_ = 	snop  }
0x31: {  	[tilespmem:s12], [sflag:$0x1] =	stream.indirect.gather [hbm4b:s7+s11], $0x40, s6, s11, $0xb8;
	[tilespmem:$0x28A0] =	vst v63  }
0x32: {  	_ =	swait.ge [sflag:s13], $0x1000  }
0x33: {  	[sflag:s13] =	ssyncset.done $0x0  }
0x34: {  	[sflag:s13] =	ssyncadd.s32 $0xFFFFF000  }
0x35: {  	_ =	swait.ge [sflag:s13], $0x1000  }
0x36: {  	[sflag:s13] =	ssyncset.done $0x0  }
0x37: {  	[sflag:s13] =	ssyncadd.s32 $0xFFFFF000  }
0x38: {  	_ =	swait.ge [sflag:s13], $0x800  }
0x39: {  	[sflag:s13] =	ssyncset.done $0x0  }
0x3a: {  	[sflag:s13] =	ssyncadd.s32 $0xFFFFF800  }
0x3b: {  	[hbm4b:s14+s2] =	stream.linear.scatter [tilespmem:s9], [sflag:$0x2], $0x2000, $0x38;
	[tilespmem:$0x28A0] =	vst v63  }
0x3c: {  	_ =	swait.ge [sflag:s3], $0x2000  }
.Ltmp1:
0x3d: {  	[sflag:s3] =	ssyncset.done $0x0;
	(pc) =	sbr.rel @p0 .LBB2_1-.Ltmp1, $4  }
0x3e: {  	[sflag:s3] =	ssyncadd.s32 $0xFFFFE000  }
0x3f: {  	[hbm4b:s15+s2] =	stream.linear.scatter [tilespmem:s12], [sflag:$0x2], $0x800, $0x38;
	[tilespmem:$0x28A0] =	vst v63  }
0x40: {  	_ =	swait.ge [sflag:s3], $0x800  }
0x41: {  	[sflag:s3] =	ssyncset.done $0x0  }
.LBB2_2:
0x42: {  	[sflag:s3] =	ssyncadd.s32 $0xFFFFF800  }
0x43: {  	_ =	sfence.sel $0x180000  }
0x44: {  	[bflag:$0x0] =	sbarrier.arrive $0xFFFF  }
0x45: {  	p0 =	sne.s32 s0, $0x0;
	_ =	strace $0x90000047  }
0x46: {  	s0 =	sadd.s32 @!p0 $0x100000, s1;
	[bflag:$0x2] =	sbarrier.arrive $0xFFFF  }
0x47: {  	[sflag:s0] =	ssyncadd.tile.s32 @!p0 $0x1;
	_ =	shalt  }
.Lfunc_end2:
_tile_overlayer_lowered:
.L_overlay_start_2:
0x48: {  	(tag) =	ssettag $0x2  }
0x49: {  	s0 =	rddreg [dreg:$0x0];
	s2 =	stileid.u32  }
0x4a: {  	s1 =	rddreg [dreg:$0x1];
	p0 =	sne.s32 s2, $0x0  }
0x4b: {  	s3 =	rddreg [dreg:$0x2];
	[bflag:$0x3] =	sbarrier.arrive $0xFFFF;
	s2 =	simm.s32 @!p0 $0x1C02  }
0x4c: {  	[timem:s3], [sflag:s2] =	dma.local @!p0 [hbm:s0], s1  }
0x4d: {  	s0 =	simm.s32 @!p0 $0x2  }
0x4e: {  	_ =	swait.ge @!p0 [sflag:s0], s1  }
0x4f: {  	s1 =	ssub.s32 @!p0 $0x0, s1;
	[sflag:s0] =	ssyncset.done @!p0 $0x0  }
0x50: {  	[sflag:s0] =	ssyncadd.s32 @!p0 s1  }
0x51: {  	[bflag:$0x3] =	sbarrier.arrive $0xFFFF  }
0x52: {  	_ =	shalt  }

</sc_bundles>
